<compile_context>
chip_gen: v7x
topology: tpu7x:2x2x1
jax: 0.10.2.dev20260603
libtpu: 0.0.44.dev20260713+nightly
codegen_flags: <defaults>
</compile_context>

<pallas_src>
import functools
import jax
import jax.numpy as jnp
from jax import lax
from jax.experimental import pallas as pl
from jax.experimental.pallas import tpu as pltpu
from jax.experimental.pallas import tpu_sc as plsc

B, C, H, W = 8, 64, 32, 32
K = 8192
MB = 1024
KC = 1024
NPIX = B * H * W
NBLK = NPIX // MB
NCH = K // KC


def _gather_body(idx_ref, cbT_ref, pqwT_ref, pqb_ref, h1_ref):
    minidx = idx_ref[...]
    zq = jnp.zeros((MB, C), jnp.float32)
    for k in range(NCH):
        io = lax.broadcasted_iota(jnp.int32, (MB, KC), 1) + k * KC
        oh = (minidx[:, None] == io).astype(jnp.bfloat16)
        cT = cbT_ref[:, k * KC:(k + 1) * KC]
        c_hi = cT.astype(jnp.bfloat16)
        c_lo = (cT - c_hi.astype(jnp.float32)).astype(jnp.bfloat16)
        zq = zq + lax.dot_general(oh, c_hi, (((1,), (1,)), ((), ())),
                                  preferred_element_type=jnp.float32)
        zq = zq + lax.dot_general(oh, c_lo, (((1,), (1,)), ((), ())),
                                  preferred_element_type=jnp.float32)
    h1 = lax.dot_general(zq, pqwT_ref[...], (((1,), (0,)), ((), ())),
                         preferred_element_type=jnp.float32) + pqb_ref[...]
    h1_ref[...] = h1


def _gather_stage(idx, cbT, pqwT, pqb2):
    return pl.pallas_call(
        _gather_body,
        grid=(NBLK,),
        in_specs=[
            pl.BlockSpec((MB,), lambda i: (i,)),
            pl.BlockSpec((C, K), lambda i: (0, 0)),
            pl.BlockSpec((C, C), lambda i: (0, 0)),
            pl.BlockSpec((1, C), lambda i: (0, 0)),
        ],
        out_specs=pl.BlockSpec((MB, C), lambda i: (i, 0)),
        out_shape=jax.ShapeDtypeStruct((NPIX, C), jnp.float32),
    )(idx, cbT, pqwT, pqb2)


_SC_NC = 2
_SC_NS = 16
_NW = _SC_NC * _SC_NS
_BPW = NPIX // _NW


def _sc_gather(codebook128, idx):
    mesh = plsc.VectorSubcoreMesh(core_axis_name="c", subcore_axis_name="s")

    @functools.partial(
        pl.kernel, mesh=mesh,
        out_type=jax.ShapeDtypeStruct((NPIX, 128), jnp.float32),
        scratch_types=[
            pltpu.VMEM((_BPW,), jnp.int32),
            pltpu.VMEM((_BPW, 128), jnp.float32),
            pltpu.SemaphoreType.DMA,
        ],
    )
    def k(table_hbm, idx_hbm, out_hbm, idx_v, rows_v, sem):
        wid = lax.axis_index("s") * _SC_NC + lax.axis_index("c")
        base = wid * _BPW
        pltpu.sync_copy(idx_hbm.at[pl.ds(base, _BPW)], idx_v)
        pltpu.async_copy(table_hbm.at[idx_v], rows_v, sem).wait()
        pltpu.sync_copy(rows_v, out_hbm.at[pl.ds(base, _BPW)])

    return k(codebook128, idx)


def _pq_body(zq_ref, pqwT_ref, pqb_ref, h1_ref):
    h1_ref[...] = lax.dot_general(
        zq_ref[...], pqwT_ref[...], (((1,), (0,)), ((), ())),
        preferred_element_type=jnp.float32) + pqb_ref[...]


def _pq_stage(zq, pqwT, pqb2):
    return pl.pallas_call(
        _pq_body,
        grid=(NBLK,),
        in_specs=[
            pl.BlockSpec((MB, C), lambda i: (i, 0)),
            pl.BlockSpec((C, C), lambda i: (0, 0)),
            pl.BlockSpec((1, C), lambda i: (0, 0)),
        ],
        out_specs=pl.BlockSpec((MB, C), lambda i: (i, 0)),
        out_shape=jax.ShapeDtypeStruct((NPIX, C), jnp.float32),
    )(zq, pqwT, pqb2)


def _conv_body(hw, nstripe, cout, relu):
    hp = hw + 2
    rows = hw // nstripe

    def body(x_ref, w_ref, b_ref, o_ref):
        s = pl.program_id(1)
        xst = x_ref[0, pl.ds(s * rows, rows + 3)].reshape((rows + 3) * hp, C)
        acc = jnp.zeros((rows * hp, cout), jnp.float32)
        for dy in range(3):
            for dx in range(3):
                off = dy * hp + dx
                acc = acc + jnp.dot(xst[off:off + rows * hp, :], w_ref[dy, dx],
                                    preferred_element_type=jnp.float32)
        acc = acc + b_ref[...]
        if relu:
            acc = jax.nn.relu(acc)
        o_ref[0] = acc.reshape(rows, hp, cout)[:, :hw]
    return body


def _conv_stage(xpad, wt, b2, hw, nstripe, cout=C, relu=True):
    rows = hw // nstripe
    return pl.pallas_call(
        _conv_body(hw, nstripe, cout, relu),
        grid=(B, nstripe),
        in_specs=[
            pl.BlockSpec((1, hw + 4, hw + 2, C), lambda i, s: (i, 0, 0, 0)),
            pl.BlockSpec((3, 3, C, cout), lambda i, s: (0, 0, 0, 0)),
            pl.BlockSpec((1, cout), lambda i, s: (0, 0)),
        ],
        out_specs=pl.BlockSpec((1, rows, hw, cout), lambda i, s: (i, s, 0, 0)),
        out_shape=jax.ShapeDtypeStruct((B, hw, hw, cout), jnp.float32),
    )(xpad, wt, b2)


def _up2(x):
    return jnp.repeat(jnp.repeat(x, 2, axis=1), 2, axis=2)


def _pad1(x):
    return jnp.pad(x, ((0, 0), (1, 3), (1, 1), (0, 0)))


def kernel(lat, quant_w, quant_b, codebook, pq_w, pq_b,
           dec_w1, dec_b1, dec_w2, dec_b2, dec_wout, dec_bout):
    z = lax.conv_general_dilated(lat, quant_w, window_strides=(1, 1),
                                 padding='SAME',
                                 dimension_numbers=('NCHW', 'OIHW', 'NCHW'))
    z = z + quant_b[None, :, None, None]
    zf = jnp.transpose(z, (0, 2, 3, 1)).reshape(-1, C)
    d = (jnp.sum(zf ** 2, axis=1, keepdims=True)
         + jnp.sum(codebook ** 2, axis=1)[None, :] - 2.0 * zf @ codebook.T)
    idx = jnp.argmin(d, axis=1).astype(jnp.int32)

    cb128 = jnp.pad(codebook, ((0, 0), (0, 128 - C)))
    zq = _sc_gather(cb128, idx)[:, :C]
    pqwT = pq_w.reshape(C, C).T
    h1f = _pq_stage(zq, pqwT, pq_b[None, :])
    h1 = h1f.reshape(B, H, W, C)

    wt1 = jnp.transpose(dec_w1, (2, 3, 1, 0))
    wt2 = jnp.transpose(dec_w2, (2, 3, 1, 0))
    wto = jnp.transpose(dec_wout, (2, 3, 1, 0))
    wto = jnp.pad(wto, ((0, 0), (0, 0), (0, 0), (0, 5)))
    bo = jnp.pad(dec_bout, (0, 5))

    h2 = _conv_stage(_pad1(_up2(h1)), wt1, dec_b1[None, :], 2 * H, 2)
    h3 = _conv_stage(_pad1(_up2(h2)), wt2, dec_b2[None, :], 4 * H, 8)
    out = _conv_stage(_pad1(h3), wto, bo[None, :], 4 * H, 8, cout=8, relu=False)
    return jnp.transpose(out[:, :, :, :3], (0, 3, 1, 2))

# --- scband reference (transcript-rebuilt; emitter-appended) ---
"""Pipeline reference for scband-re-con-14860586844565 (READ-ONLY COPY).

The authoritative reference and input builder live on the scoring server;
editing this copy changes nothing except your own understanding.
"""

import jax, jax.numpy as jnp
import numpy as np
from jax import lax


def conv2d(x, w, b):
    y = lax.conv_general_dilated(x, w, window_strides=(1, 1), padding='SAME',
                                 dimension_numbers=('NCHW', 'OIHW', 'NCHW'))
    return y + b[None, :, None, None]


def upsample2x(x):
    x = jnp.repeat(x, 2, axis=2)
    return jnp.repeat(x, 2, axis=3)


def setup_inputs(seed: int = 0) -> dict:
    key = jax.random.key(seed)
    ks = jax.random.split(key, 12)
    B, C, H, W = 8, 64, 32, 32
    K = 8192
    s = 0.05
    return {
        'lat': jax.random.normal(ks[0], (B, C, H, W), jnp.float32),
        'quant_w': jax.random.normal(ks[1], (C, C, 1, 1), jnp.float32) * s,
        'quant_b': jnp.zeros((C,), jnp.float32),
        'codebook': jax.random.normal(ks[2], (K, C), jnp.float32) * s,
        'pq_w': jax.random.normal(ks[3], (C, C, 1, 1), jnp.float32) * s,
        'pq_b': jnp.zeros((C,), jnp.float32),
        'dec_w1': jax.random.normal(ks[4], (C, C, 3, 3), jnp.float32) * s,
        'dec_b1': jnp.zeros((C,), jnp.float32),
        'dec_w2': jax.random.normal(ks[5], (C, C, 3, 3), jnp.float32) * s,
        'dec_b2': jnp.zeros((C,), jnp.float32),
        'dec_wout': jax.random.normal(ks[6], (3, C, 3, 3), jnp.float32) * s,
        'dec_bout': jnp.zeros((3,), jnp.float32),
    }


def reference(lat, quant_w, quant_b, codebook, pq_w, pq_b,
              dec_w1, dec_b1, dec_w2, dec_b2, dec_wout, dec_bout):
    # quant_conv (1x1)
    z = conv2d(lat, quant_w, quant_b)
    B, C, H, W = z.shape
    # VectorQuantizer: nearest-neighbor codebook lookup
    zf = jnp.transpose(z, (0, 2, 3, 1)).reshape(-1, C)
    d = (jnp.sum(zf ** 2, axis=1, keepdims=True)
         + jnp.sum(codebook ** 2, axis=1)[None, :]
         - 2.0 * zf @ codebook.T)
    idx = jnp.argmin(d, axis=1)
    zq = jnp.take(codebook, idx, axis=0).reshape(B, H, W, C)
    zq = jnp.transpose(zq, (0, 3, 1, 2))
    # straight-through estimator
    zq = z + lax.stop_gradient(zq - z)
    # post_quant_conv (1x1)
    h = conv2d(zq, pq_w, pq_b)
    # Decoder: 2x upsample + conv blocks, then RGB head
    h = upsample2x(h)
    h = jax.nn.relu(conv2d(h, dec_w1, dec_b1))
    h = upsample2x(h)
    h = jax.nn.relu(conv2d(h, dec_w2, dec_b2))
    dec_img = conv2d(h, dec_wout, dec_bout)
    return dec_img

if __name__ == "__main__":
    import jax
    _d = setup_inputs()
    print(jax.jit(kernel)(*tuple(_d.values())))

</pallas_src>

<mosaic_0001>
#map = affine_map<(d0, d1) -> (0, 0)>
#map1 = affine_map<(d0, d1) -> (0)>
module attributes {stable_mosaic.version = 14 : i64} {
  func.func @k(%arg0: i32, %arg1: i32, %arg2: memref<8192x128xf32, #tpu.memory_space<hbm>>, %arg3: memref<8192xi32, #tpu.memory_space<hbm>>, %arg4: memref<8192x128xf32, #tpu.memory_space<hbm>>, %arg5: memref<256xi32, #tpu.memory_space<vmem>>, %arg6: memref<256x128xf32, #tpu.memory_space<vmem>>, %arg7: memref<!tpu.dma_semaphore, #tpu.memory_space<semaphore_mem>>) attributes {dimension_semantics = [#tpu.dimension_semantics<core_parallel>, #tpu.dimension_semantics<subcore_parallel>], iteration_bounds = array<i64: 2, 16>, scalar_prefetch = 0 : i64, scratch_operands = 3 : i64, tpu.core_type = #tpu.core_type<sc_vector_subcore>, window_params = [{transform_indices = #map}, {transform_indices = #map1}, {transform_indices = #map}]} {
    %mul3A = arith.constant 2 : i32
    %mul3A_0 = arith.muli %arg1, %mul3A : i32
    %add3A = arith.addi %mul3A_0, %arg0 : i32
    %mul3A_1 = arith.constant 256 : i32
    %mul3A_2 = arith.muli %add3A, %mul3A_1 : i32
    "tpu.region"() ({
      %run_scoped3A = tpu.sem_alloc : memref<!tpu.dma_semaphore, #tpu.memory_space<semaphore_mem>>
      %dma_start3A_7 = tpu.memref_slice %arg3[%mul3A_2] : memref<8192xi32, #tpu.memory_space<hbm>> -> memref<256xi32, #tpu.memory_space<hbm>>
      %dma_start3A_8 = tpu.memref_slice %arg3[%mul3A_2] : memref<8192xi32, #tpu.memory_space<hbm>> -> memref<256xi32, #tpu.memory_space<hbm>>
      tpu.enqueue_dma source(%dma_start3A_8 : memref<256xi32, #tpu.memory_space<hbm>>) target(%arg5 : memref<256xi32, #tpu.memory_space<vmem>>) target_semaphore(%run_scoped3A : memref<!tpu.dma_semaphore, #tpu.memory_space<semaphore_mem>>)
      %dma_wait3A_9 = tpu.memref_slice %arg3[%mul3A_2] : memref<8192xi32, #tpu.memory_space<hbm>> -> memref<256xi32, #tpu.memory_space<hbm>>
      %dma_wait3A_10 = tpu.memref_slice %arg3[%mul3A_2] : memref<8192xi32, #tpu.memory_space<hbm>> -> memref<256xi32, #tpu.memory_space<hbm>>
      tpu.wait_dma2 semaphore(%run_scoped3A : memref<!tpu.dma_semaphore, #tpu.memory_space<semaphore_mem>>) src(%dma_wait3A_10 : memref<256xi32, #tpu.memory_space<hbm>>) dst(%arg5 : memref<256xi32, #tpu.memory_space<vmem>>)
      tpu.yield
    }) : () -> ()
    %dma_start3A = arith.constant 0 : i32
    %dma_start3A_3 = arith.constant 0 : i32
    %dma_start3A_4 = tpu.memref_slice %arg2[%dma_start3A, %dma_start3A_3] : memref<8192x128xf32, #tpu.memory_space<hbm>> -> memref<8192x128xf32, #tpu.memory_space<hbm>>
    tpu.enqueue_indirect_dma source(%dma_start3A_4 : memref<8192x128xf32, #tpu.memory_space<hbm>>) target(%arg6 : memref<256x128xf32, #tpu.memory_space<vmem>>) offsets(%arg5 : memref<256xi32, #tpu.memory_space<vmem>>) semaphore(%arg7 : memref<!tpu.dma_semaphore, #tpu.memory_space<semaphore_mem>>)
    %dma_wait3A = arith.constant 0 : i32
    %dma_wait3A_5 = arith.constant 0 : i32
    %dma_wait3A_6 = tpu.memref_slice %arg2[%dma_wait3A, %dma_wait3A_5] : memref<8192x128xf32, #tpu.memory_space<hbm>> -> memref<8192x128xf32, #tpu.memory_space<hbm>>
    tpu.wait_indirect_dma semaphore(%arg7 : memref<!tpu.dma_semaphore, #tpu.memory_space<semaphore_mem>>) src(%dma_wait3A_6 : memref<8192x128xf32, #tpu.memory_space<hbm>>) dst(%arg6 : memref<256x128xf32, #tpu.memory_space<vmem>>)
    "tpu.region"() ({
      %run_scoped3A = tpu.sem_alloc : memref<!tpu.dma_semaphore, #tpu.memory_space<semaphore_mem>>
      %dma_start3A_7 = arith.constant 0 : i32
      %dma_start3A_8 = tpu.memref_slice %arg4[%mul3A_2, %dma_start3A_7] : memref<8192x128xf32, #tpu.memory_space<hbm>> -> memref<256x128xf32, #tpu.memory_space<hbm>>
      %dma_start3A_9 = arith.constant 0 : i32
      %dma_start3A_10 = tpu.memref_slice %arg4[%mul3A_2, %dma_start3A_9] : memref<8192x128xf32, #tpu.memory_space<hbm>> -> memref<256x128xf32, #tpu.memory_space<hbm>>
      tpu.enqueue_dma source(%arg6 : memref<256x128xf32, #tpu.memory_space<vmem>>) target(%dma_start3A_10 : memref<256x128xf32, #tpu.memory_space<hbm>>) target_semaphore(%run_scoped3A : memref<!tpu.dma_semaphore, #tpu.memory_space<semaphore_mem>>)
      %dma_wait3A_11 = arith.constant 0 : i32
      %dma_wait3A_12 = tpu.memref_slice %arg4[%mul3A_2, %dma_wait3A_11] : memref<8192x128xf32, #tpu.memory_space<hbm>> -> memref<256x128xf32, #tpu.memory_space<hbm>>
      %dma_wait3A_13 = arith.constant 0 : i32
      %dma_wait3A_14 = tpu.memref_slice %arg4[%mul3A_2, %dma_wait3A_13] : memref<8192x128xf32, #tpu.memory_space<hbm>> -> memref<256x128xf32, #tpu.memory_space<hbm>>
      tpu.wait_dma2 semaphore(%run_scoped3A : memref<!tpu.dma_semaphore, #tpu.memory_space<semaphore_mem>>) src(%arg6 : memref<256x128xf32, #tpu.memory_space<vmem>>) dst(%dma_wait3A_14 : memref<256x128xf32, #tpu.memory_space<hbm>>)
      tpu.yield
    }) : () -> ()
    return
  }
}

module attributes {stable_mosaic.version = 14 : i64} {
  func.func @_pq_body(%arg0: i32, %arg1: memref<1024x64xf32, #tpu.memory_space<vmem>>, %arg2: memref<64x64xf32, #tpu.memory_space<vmem>>, %arg3: memref<1x64xf32, #tpu.memory_space<vmem>>, %arg4: memref<1024x64xf32, #tpu.memory_space<vmem>>) attributes {dimension_semantics = [#tpu.dimension_semantics<arbitrary>], iteration_bounds = array<i64: 8>, scalar_prefetch = 0 : i64, scratch_operands = 0 : i64, tpu.core_type = #tpu.core_type<tc>, window_params = [{transform_indices = @transform_0, window_bounds = array<i64: 1024, 64>}, {pipeline_mode = #tpu.pipeline_mode<synchronous>, transform_indices = @transform_1, window_bounds = array<i64: 64, 64>}, {pipeline_mode = #tpu.pipeline_mode<synchronous>, transform_indices = @transform_2, window_bounds = array<i64: 1, 64>}, {transform_indices = @transform_3, window_bounds = array<i64: 1024, 64>}]} {
    %get3A = arith.constant 0 : index
    %get3A_0 = arith.constant 0 : index
    %get3A_1 = vector.load %arg1[%get3A, %get3A_0] : memref<1024x64xf32, #tpu.memory_space<vmem>>, vector<1024x64xf32>
    %get3A_2 = arith.constant 0 : index
    %get3A_3 = arith.constant 0 : index
    %get3A_4 = vector.load %arg2[%get3A_2, %get3A_3] : memref<64x64xf32, #tpu.memory_space<vmem>>, vector<64x64xf32>
    %dot_general3A = arith.constant dense<0.000000e+00> : vector<1024x64xf32>
    %dot_general3A_5 = tpu.matmul %get3A_1, %get3A_4, %dot_general3A {dimension_numbers = #tpu.dot_dimension_numbers<[1], [0], [0], [1], [0, 0, 1, 1], [], []>, transpose_lhs_hint = false} : vector<1024x64xf32>, vector<64x64xf32>, vector<1024x64xf32> -> vector<1024x64xf32>
    %get3A_6 = arith.constant 0 : index
    %get3A_7 = arith.constant 0 : index
    %get3A_8 = vector.load %arg3[%get3A_6, %get3A_7] : memref<1x64xf32, #tpu.memory_space<vmem>>, vector<1x64xf32>
    %add3A = vector.broadcast %get3A_8 : vector<1x64xf32> to vector<1024x64xf32>
    %add3A_9 = arith.addf %dot_general3A_5, %add3A : vector<1024x64xf32>
    %swap3A = arith.constant 0 : index
    %swap3A_10 = arith.constant 0 : index
    %swap3A_11 = vector.load %arg4[%swap3A, %swap3A_10] : memref<1024x64xf32, #tpu.memory_space<vmem>>, vector<1024x64xf32>
    tpu.vector_store %arg4[%swap3A, %swap3A_10], %add3A_9 {strides = array<i32>} : memref<1024x64xf32, #tpu.memory_space<vmem>>, vector<1024x64xf32>,
    return
  }
  func.func @transform_0(%arg0: i32) -> (i32, i32) {
    %c0_i32 = arith.constant 0 : i32
    %c0_i32_0 = arith.constant 0 : i32
    return %arg0, %c0_i32 : i32, i32
  }
  func.func @transform_1(%arg0: i32) -> (i32, i32) {
    %c0_i32 = arith.constant 0 : i32
    %c0_i32_0 = arith.constant 0 : i32
    %c0_i32_1 = arith.constant 0 : i32
    return %c0_i32, %c0_i32_0 : i32, i32
  }
  func.func @transform_2(%arg0: i32) -> (i32, i32) {
    %c0_i32 = arith.constant 0 : i32
    %c0_i32_0 = arith.constant 0 : i32
    %c0_i32_1 = arith.constant 0 : i32
    return %c0_i32, %c0_i32_0 : i32, i32
  }
  func.func @transform_3(%arg0: i32) -> (i32, i32) {
    %c0_i32 = arith.constant 0 : i32
    %c0_i32_0 = arith.constant 0 : i32
    return %arg0, %c0_i32 : i32, i32
  }
}

module attributes {stable_mosaic.version = 14 : i64} {
  func.func @body(%arg0: i32, %arg1: i32, %arg2: memref<1x68x66x64xf32, #tpu.memory_space<vmem>>, %arg3: memref<3x3x64x64xf32, #tpu.memory_space<vmem>>, %arg4: memref<1x64xf32, #tpu.memory_space<vmem>>, %arg5: memref<1x32x64x64xf32, #tpu.memory_space<vmem>>) attributes {dimension_semantics = [#tpu.dimension_semantics<arbitrary>, #tpu.dimension_semantics<arbitrary>], iteration_bounds = array<i64: 8, 2>, scalar_prefetch = 0 : i64, scratch_operands = 0 : i64, tpu.core_type = #tpu.core_type<tc>, window_params = [{transform_indices = @transform_0, window_bounds = array<i64: 1, 68, 66, 64>}, {pipeline_mode = #tpu.pipeline_mode<synchronous>, transform_indices = @transform_1, window_bounds = array<i64: 3, 3, 64, 64>}, {pipeline_mode = #tpu.pipeline_mode<synchronous>, transform_indices = @transform_2, window_bounds = array<i64: 1, 64>}, {transform_indices = @transform_3, window_bounds = array<i64: 1, 32, 64, 64>}]} {
    %mul3A = arith.constant 32 : i32
    %mul3A_0 = arith.muli %arg1, %mul3A : i32
    %get3A = arith.constant 0 : index
    %get3A_1 = arith.index_cast %mul3A_0 : i32 to index
    %get3A_2 = arith.constant 0 : index
    %get3A_3 = arith.constant 0 : index
    %get3A_4 = vector.load %arg2[%get3A, %get3A_1, %get3A_2, %get3A_3] : memref<1x68x66x64xf32, #tpu.memory_space<vmem>>, vector<1x35x66x64xf32>
    %get3A_5 = vector.shape_cast %get3A_4 : vector<1x35x66x64xf32> to vector<35x66x64xf32>
    %reshape3A = vector.shape_cast %get3A_5 : vector<35x66x64xf32> to vector<2310x64xf32>
    %broadcast_in_dim3A = arith.constant 0.000000e+00 : f32
    %broadcast_in_dim3A_6 = vector.broadcast %broadcast_in_dim3A : f32 to vector<2112x64xf32>
    %slice3A = vector.extract_strided_slice %reshape3A {offsets = [0, 0], sizes = [2112, 64], strides = [1, 1]} : vector<2310x64xf32> to vector<2112x64xf32>
    %get3A_7 = arith.constant 0 : index
    %get3A_8 = arith.constant 0 : index
    %get3A_9 = arith.constant 0 : index
    %get3A_10 = arith.constant 0 : index
    %get3A_11 = vector.load %arg3[%get3A_7, %get3A_8, %get3A_9, %get3A_10] : memref<3x3x64x64xf32, #tpu.memory_space<vmem>>, vector<1x1x64x64xf32>
    %get3A_12 = vector.shape_cast %get3A_11 : vector<1x1x64x64xf32> to vector<64x64xf32>
    %dot_general3A = arith.constant dense<0.000000e+00> : vector<2112x64xf32>
    %dot_general3A_13 = tpu.matmul %slice3A, %get3A_12, %dot_general3A {dimension_numbers = #tpu.dot_dimension_numbers<[1], [0], [0], [1], [0, 0, 1, 1], [], []>, transpose_lhs_hint = false} : vector<2112x64xf32>, vector<64x64xf32>, vector<2112x64xf32> -> vector<2112x64xf32>
    %add3A = arith.addf %broadcast_in_dim3A_6, %dot_general3A_13 : vector<2112x64xf32>
    %slice3A_14 = vector.extract_strided_slice %reshape3A {offsets = [1, 0], sizes = [2112, 64], strides = [1, 1]} : vector<2310x64xf32> to vector<2112x64xf32>
    %get3A_15 = arith.constant 0 : index
    %get3A_16 = arith.constant 1 : index
    %get3A_17 = arith.constant 0 : index
    %get3A_18 = arith.constant 0 : index
    %get3A_19 = vector.load %arg3[%get3A_15, %get3A_16, %get3A_17, %get3A_18] : memref<3x3x64x64xf32, #tpu.memory_space<vmem>>, vector<1x1x64x64xf32>
    %get3A_20 = vector.shape_cast %get3A_19 : vector<1x1x64x64xf32> to vector<64x64xf32>
    %dot_general3A_21 = arith.constant dense<0.000000e+00> : vector<2112x64xf32>
    %dot_general3A_22 = tpu.matmul %slice3A_14, %get3A_20, %dot_general3A_21 {dimension_numbers = #tpu.dot_dimension_numbers<[1], [0], [0], [1], [0, 0, 1, 1], [], []>, transpose_lhs_hint = false} : vector<2112x64xf32>, vector<64x64xf32>, vector<2112x64xf32> -> vector<2112x64xf32>
    %add3A_23 = arith.addf %add3A, %dot_general3A_22 : vector<2112x64xf32>
    %slice3A_24 = vector.extract_strided_slice %reshape3A {offsets = [2, 0], sizes = [2112, 64], strides = [1, 1]} : vector<2310x64xf32> to vector<2112x64xf32>
    %get3A_25 = arith.constant 0 : index
    %get3A_26 = arith.constant 2 : index
    %get3A_27 = arith.constant 0 : index
    %get3A_28 = arith.constant 0 : index
    %get3A_29 = vector.load %arg3[%get3A_25, %get3A_26, %get3A_27, %get3A_28] : memref<3x3x64x64xf32, #tpu.memory_space<vmem>>, vector<1x1x64x64xf32>
    %get3A_30 = vector.shape_cast %get3A_29 : vector<1x1x64x64xf32> to vector<64x64xf32>
    %dot_general3A_31 = arith.constant dense<0.000000e+00> : vector<2112x64xf32>
    %dot_general3A_32 = tpu.matmul %slice3A_24, %get3A_30, %dot_general3A_31 {dimension_numbers = #tpu.dot_dimension_numbers<[1], [0], [0], [1], [0, 0, 1, 1], [], []>, transpose_lhs_hint = false} : vector<2112x64xf32>, vector<64x64xf32>, vector<2112x64xf32> -> vector<2112x64xf32>
    %add3A_33 = arith.addf %add3A_23, %dot_general3A_32 : vector<2112x64xf32>
    %slice3A_34 = vector.extract_strided_slice %reshape3A {offsets = [66, 0], sizes = [2112, 64], strides = [1, 1]} : vector<2310x64xf32> to vector<2112x64xf32>
    %get3A_35 = arith.constant 1 : index
    %get3A_36 = arith.constant 0 : index
    %get3A_37 = arith.constant 0 : index
    %get3A_38 = arith.constant 0 : index
    %get3A_39 = vector.load %arg3[%get3A_35, %get3A_36, %get3A_37, %get3A_38] : memref<3x3x64x64xf32, #tpu.memory_space<vmem>>, vector<1x1x64x64xf32>
    %get3A_40 = vector.shape_cast %get3A_39 : vector<1x1x64x64xf32> to vector<64x64xf32>
    %dot_general3A_41 = arith.constant dense<0.000000e+00> : vector<2112x64xf32>
    %dot_general3A_42 = tpu.matmul %slice3A_34, %get3A_40, %dot_general3A_41 {dimension_numbers = #tpu.dot_dimension_numbers<[1], [0], [0], [1], [0, 0, 1, 1], [], []>, transpose_lhs_hint = false} : vector<2112x64xf32>, vector<64x64xf32>, vector<2112x64xf32> -> vector<2112x64xf32>
    %add3A_43 = arith.addf %add3A_33, %dot_general3A_42 : vector<2112x64xf32>
    %slice3A_44 = vector.extract_strided_slice %reshape3A {offsets = [67, 0], sizes = [2112, 64], strides = [1, 1]} : vector<2310x64xf32> to vector<2112x64xf32>
    %get3A_45 = arith.constant 1 : index
    %get3A_46 = arith.constant 1 : index
    %get3A_47 = arith.constant 0 : index
    %get3A_48 = arith.constant 0 : index
    %get3A_49 = vector.load %arg3[%get3A_45, %get3A_46, %get3A_47, %get3A_48] : memref<3x3x64x64xf32, #tpu.memory_space<vmem>>, vector<1x1x64x64xf32>
    %get3A_50 = vector.shape_cast %get3A_49 : vector<1x1x64x64xf32> to vector<64x64xf32>
    %dot_general3A_51 = arith.constant dense<0.000000e+00> : vector<2112x64xf32>
    %dot_general3A_52 = tpu.matmul %slice3A_44, %get3A_50, %dot_general3A_51 {dimension_numbers = #tpu.dot_dimension_numbers<[1], [0], [0], [1], [0, 0, 1, 1], [], []>, transpose_lhs_hint = false} : vector<2112x64xf32>, vector<64x64xf32>, vector<2112x64xf32> -> vector<2112x64xf32>
    %add3A_53 = arith.addf %add3A_43, %dot_general3A_52 : vector<2112x64xf32>
    %slice3A_54 = vector.extract_strided_slice %reshape3A {offsets = [68, 0], sizes = [2112, 64], strides = [1, 1]} : vector<2310x64xf32> to vector<2112x64xf32>
    %get3A_55 = arith.constant 1 : index
    %get3A_56 = arith.constant 2 : index
    %get3A_57 = arith.constant 0 : index
    %get3A_58 = arith.constant 0 : index
    %get3A_59 = vector.load %arg3[%get3A_55, %get3A_56, %get3A_57, %get3A_58] : memref<3x3x64x64xf32, #tpu.memory_space<vmem>>, vector<1x1x64x64xf32>
    %get3A_60 = vector.shape_cast %get3A_59 : vector<1x1x64x64xf32> to vector<64x64xf32>
    %dot_general3A_61 = arith.constant dense<0.000000e+00> : vector<2112x64xf32>
    %dot_general3A_62 = tpu.matmul %slice3A_54, %get3A_60, %dot_general3A_61 {dimension_numbers = #tpu.dot_dimension_numbers<[1], [0], [0], [1], [0, 0, 1, 1], [], []>, transpose_lhs_hint = false} : vector<2112x64xf32>, vector<64x64xf32>, vector<2112x64xf32> -> vector<2112x64xf32>
    %add3A_63 = arith.addf %add3A_53, %dot_general3A_62 : vector<2112x64xf32>
    %slice3A_64 = vector.extract_strided_slice %reshape3A {offsets = [132, 0], sizes = [2112, 64], strides = [1, 1]} : vector<2310x64xf32> to vector<2112x64xf32>
    %get3A_65 = arith.constant 2 : index
    %get3A_66 = arith.constant 0 : index
    %get3A_67 = arith.constant 0 : index
    %get3A_68 = arith.constant 0 : index
    %get3A_69 = vector.load %arg3[%get3A_65, %get3A_66, %get3A_67, %get3A_68] : memref<3x3x64x64xf32, #tpu.memory_space<vmem>>, vector<1x1x64x64xf32>
    %get3A_70 = vector.shape_cast %get3A_69 : vector<1x1x64x64xf32> to vector<64x64xf32>
    %dot_general3A_71 = arith.constant dense<0.000000e+00> : vector<2112x64xf32>
    %dot_general3A_72 = tpu.matmul %slice3A_64, %get3A_70, %dot_general3A_71 {dimension_numbers = #tpu.dot_dimension_numbers<[1], [0], [0], [1], [0, 0, 1, 1], [], []>, transpose_lhs_hint = false} : vector<2112x64xf32>, vector<64x64xf32>, vector<2112x64xf32> -> vector<2112x64xf32>
    %add3A_73 = arith.addf %add3A_63, %dot_general3A_72 : vector<2112x64xf32>
    %slice3A_74 = vector.extract_strided_slice %reshape3A {offsets = [133, 0], sizes = [2112, 64], strides = [1, 1]} : vector<2310x64xf32> to vector<2112x64xf32>
    %get3A_75 = arith.constant 2 : index
    %get3A_76 = arith.constant 1 : index
    %get3A_77 = arith.constant 0 : index
    %get3A_78 = arith.constant 0 : index
    %get3A_79 = vector.load %arg3[%get3A_75, %get3A_76, %get3A_77, %get3A_78] : memref<3x3x64x64xf32, #tpu.memory_space<vmem>>, vector<1x1x64x64xf32>
    %get3A_80 = vector.shape_cast %get3A_79 : vector<1x1x64x64xf32> to vector<64x64xf32>
    %dot_general3A_81 = arith.constant dense<0.000000e+00> : vector<2112x64xf32>
    %dot_general3A_82 = tpu.matmul %slice3A_74, %get3A_80, %dot_general3A_81 {dimension_numbers = #tpu.dot_dimension_numbers<[1], [0], [0], [1], [0, 0, 1, 1], [], []>, transpose_lhs_hint = false} : vector<2112x64xf32>, vector<64x64xf32>, vector<2112x64xf32> -> vector<2112x64xf32>
    %add3A_83 = arith.addf %add3A_73, %dot_general3A_82 : vector<2112x64xf32>
    %slice3A_84 = vector.extract_strided_slice %reshape3A {offsets = [134, 0], sizes = [2112, 64], strides = [1, 1]} : vector<2310x64xf32> to vector<2112x64xf32>
    %get3A_85 = arith.constant 2 : index
    %get3A_86 = arith.constant 2 : index
    %get3A_87 = arith.constant 0 : index
    %get3A_88 = arith.constant 0 : index
    %get3A_89 = vector.load %arg3[%get3A_85, %get3A_86, %get3A_87, %get3A_88] : memref<3x3x64x64xf32, #tpu.memory_space<vmem>>, vector<1x1x64x64xf32>
    %get3A_90 = vector.shape_cast %get3A_89 : vector<1x1x64x64xf32> to vector<64x64xf32>
    %dot_general3A_91 = arith.constant dense<0.000000e+00> : vector<2112x64xf32>
    %dot_general3A_92 = tpu.matmul %slice3A_84, %get3A_90, %dot_general3A_91 {dimension_numbers = #tpu.dot_dimension_numbers<[1], [0], [0], [1], [0, 0, 1, 1], [], []>, transpose_lhs_hint = false} : vector<2112x64xf32>, vector<64x64xf32>, vector<2112x64xf32> -> vector<2112x64xf32>
    %add3A_93 = arith.addf %add3A_83, %dot_general3A_92 : vector<2112x64xf32>
    %get3A_94 = arith.constant 0 : index
    %get3A_95 = arith.constant 0 : index
    %get3A_96 = vector.load %arg4[%get3A_94, %get3A_95] : memref<1x64xf32, #tpu.memory_space<vmem>>, vector<1x64xf32>
    %add3A_97 = vector.broadcast %get3A_96 : vector<1x64xf32> to vector<2112x64xf32>
    %add3A_98 = arith.addf %add3A_93, %add3A_97 : vector<2112x64xf32>
    %max3A = arith.constant 0.000000e+00 : f32
    %max3A_99 = vector.broadcast %max3A : f32 to vector<2112x64xf32>
    %max3A_100 = arith.maximumf %add3A_98, %max3A_99 : vector<2112x64xf32>
    %reshape3A_101 = vector.shape_cast %max3A_100 : vector<2112x64xf32> to vector<32x66x64xf32>
    %slice3A_102 = vector.extract_strided_slice %reshape3A_101 {offsets = [0, 0, 0], sizes = [32, 64, 64], strides = [1, 1, 1]} : vector<32x66x64xf32> to vector<32x64x64xf32>
    %swap3A = arith.constant 0 : index
    %swap3A_103 = arith.constant 0 : index
    %swap3A_104 = arith.constant 0 : index
    %swap3A_105 = arith.constant 0 : index
    %swap3A_106 = vector.load %arg5[%swap3A, %swap3A_103, %swap3A_104, %swap3A_105] : memref<1x32x64x64xf32, #tpu.memory_space<vmem>>, vector<1x32x64x64xf32>
    %swap3A_107 = vector.shape_cast %swap3A_106 : vector<1x32x64x64xf32> to vector<32x64x64xf32>
    %swap3A_108 = vector.shape_cast %slice3A_102 : vector<32x64x64xf32> to vector<1x32x64x64xf32>
    tpu.vector_store %arg5[%swap3A, %swap3A_103, %swap3A_104, %swap3A_105], %swap3A_108 {strides = array<i32>} : memref<1x32x64x64xf32, #tpu.memory_space<vmem>>, vector<1x32x64x64xf32>,
    return
  }
  func.func @transform_0(%arg0: i32, %arg1: i32) -> (i32, i32, i32, i32) {
    %c0_i32 = arith.constant 0 : i32
    %c0_i32_0 = arith.constant 0 : i32
    %c0_i32_1 = arith.constant 0 : i32
    %c0_i32_2 = arith.constant 0 : i32
    return %arg0, %c0_i32, %c0_i32_0, %c0_i32_1 : i32, i32, i32, i32
  }
  func.func @transform_1(%arg0: i32, %arg1: i32) -> (i32, i32, i32, i32) {
    %c0_i32 = arith.constant 0 : i32
    %c0_i32_0 = arith.constant 0 : i32
    %c0_i32_1 = arith.constant 0 : i32
    %c0_i32_2 = arith.constant 0 : i32
    %c0_i32_3 = arith.constant 0 : i32
    return %c0_i32, %c0_i32_0, %c0_i32_1, %c0_i32_2 : i32, i32, i32, i32
  }
  func.func @transform_2(%arg0: i32, %arg1: i32) -> (i32, i32) {
    %c0_i32 = arith.constant 0 : i32
    %c0_i32_0 = arith.constant 0 : i32
    %c0_i32_1 = arith.constant 0 : i32
    return %c0_i32, %c0_i32_0 : i32, i32
  }
  func.func @transform_3(%arg0: i32, %arg1: i32) -> (i32, i32, i32, i32) {
    %c0_i32 = arith.constant 0 : i32
    %c0_i32_0 = arith.constant 0 : i32
    %c0_i32_1 = arith.constant 0 : i32
    return %arg0, %arg1, %c0_i32, %c0_i32_0 : i32, i32, i32, i32
  }
}

module attributes {stable_mosaic.version = 14 : i64} {
  func.func @body(%arg0: i32, %arg1: i32, %arg2: memref<1x132x130x64xf32, #tpu.memory_space<vmem>>, %arg3: memref<3x3x64x64xf32, #tpu.memory_space<vmem>>, %arg4: memref<1x64xf32, #tpu.memory_space<vmem>>, %arg5: memref<1x16x128x64xf32, #tpu.memory_space<vmem>>) attributes {dimension_semantics = [#tpu.dimension_semantics<arbitrary>, #tpu.dimension_semantics<arbitrary>], iteration_bounds = array<i64: 8, 8>, scalar_prefetch = 0 : i64, scratch_operands = 0 : i64, tpu.core_type = #tpu.core_type<tc>, window_params = [{transform_indices = @transform_0, window_bounds = array<i64: 1, 132, 130, 64>}, {pipeline_mode = #tpu.pipeline_mode<synchronous>, transform_indices = @transform_1, window_bounds = array<i64: 3, 3, 64, 64>}, {pipeline_mode = #tpu.pipeline_mode<synchronous>, transform_indices = @transform_2, window_bounds = array<i64: 1, 64>}, {transform_indices = @transform_3, window_bounds = array<i64: 1, 16, 128, 64>}]} {
    %mul3A = arith.constant 16 : i32
    %mul3A_0 = arith.muli %arg1, %mul3A : i32
    %get3A = arith.constant 0 : index
    %get3A_1 = arith.index_cast %mul3A_0 : i32 to index
    %get3A_2 = arith.constant 0 : index
    %get3A_3 = arith.constant 0 : index
    %get3A_4 = vector.load %arg2[%get3A, %get3A_1, %get3A_2, %get3A_3] : memref<1x132x130x64xf32, #tpu.memory_space<vmem>>, vector<1x19x130x64xf32>
    %get3A_5 = vector.shape_cast %get3A_4 : vector<1x19x130x64xf32> to vector<19x130x64xf32>
    %reshape3A = vector.shape_cast %get3A_5 : vector<19x130x64xf32> to vector<2470x64xf32>
    %broadcast_in_dim3A = arith.constant 0.000000e+00 : f32
    %broadcast_in_dim3A_6 = vector.broadcast %broadcast_in_dim3A : f32 to vector<2080x64xf32>
    %slice3A = vector.extract_strided_slice %reshape3A {offsets = [0, 0], sizes = [2080, 64], strides = [1, 1]} : vector<2470x64xf32> to vector<2080x64xf32>
    %get3A_7 = arith.constant 0 : index
    %get3A_8 = arith.constant 0 : index
    %get3A_9 = arith.constant 0 : index
    %get3A_10 = arith.constant 0 : index
    %get3A_11 = vector.load %arg3[%get3A_7, %get3A_8, %get3A_9, %get3A_10] : memref<3x3x64x64xf32, #tpu.memory_space<vmem>>, vector<1x1x64x64xf32>
    %get3A_12 = vector.shape_cast %get3A_11 : vector<1x1x64x64xf32> to vector<64x64xf32>
    %dot_general3A = arith.constant dense<0.000000e+00> : vector<2080x64xf32>
    %dot_general3A_13 = tpu.matmul %slice3A, %get3A_12, %dot_general3A {dimension_numbers = #tpu.dot_dimension_numbers<[1], [0], [0], [1], [0, 0, 1, 1], [], []>, transpose_lhs_hint = false} : vector<2080x64xf32>, vector<64x64xf32>, vector<2080x64xf32> -> vector<2080x64xf32>
    %add3A = arith.addf %broadcast_in_dim3A_6, %dot_general3A_13 : vector<2080x64xf32>
    %slice3A_14 = vector.extract_strided_slice %reshape3A {offsets = [1, 0], sizes = [2080, 64], strides = [1, 1]} : vector<2470x64xf32> to vector<2080x64xf32>
    %get3A_15 = arith.constant 0 : index
    %get3A_16 = arith.constant 1 : index
    %get3A_17 = arith.constant 0 : index
    %get3A_18 = arith.constant 0 : index
    %get3A_19 = vector.load %arg3[%get3A_15, %get3A_16, %get3A_17, %get3A_18] : memref<3x3x64x64xf32, #tpu.memory_space<vmem>>, vector<1x1x64x64xf32>
    %get3A_20 = vector.shape_cast %get3A_19 : vector<1x1x64x64xf32> to vector<64x64xf32>
    %dot_general3A_21 = arith.constant dense<0.000000e+00> : vector<2080x64xf32>
    %dot_general3A_22 = tpu.matmul %slice3A_14, %get3A_20, %dot_general3A_21 {dimension_numbers = #tpu.dot_dimension_numbers<[1], [0], [0], [1], [0, 0, 1, 1], [], []>, transpose_lhs_hint = false} : vector<2080x64xf32>, vector<64x64xf32>, vector<2080x64xf32> -> vector<2080x64xf32>
    %add3A_23 = arith.addf %add3A, %dot_general3A_22 : vector<2080x64xf32>
    %slice3A_24 = vector.extract_strided_slice %reshape3A {offsets = [2, 0], sizes = [2080, 64], strides = [1, 1]} : vector<2470x64xf32> to vector<2080x64xf32>
    %get3A_25 = arith.constant 0 : index
    %get3A_26 = arith.constant 2 : index
    %get3A_27 = arith.constant 0 : index
    %get3A_28 = arith.constant 0 : index
    %get3A_29 = vector.load %arg3[%get3A_25, %get3A_26, %get3A_27, %get3A_28] : memref<3x3x64x64xf32, #tpu.memory_space<vmem>>, vector<1x1x64x64xf32>
    %get3A_30 = vector.shape_cast %get3A_29 : vector<1x1x64x64xf32> to vector<64x64xf32>
    %dot_general3A_31 = arith.constant dense<0.000000e+00> : vector<2080x64xf32>
    %dot_general3A_32 = tpu.matmul %slice3A_24, %get3A_30, %dot_general3A_31 {dimension_numbers = #tpu.dot_dimension_numbers<[1], [0], [0], [1], [0, 0, 1, 1], [], []>, transpose_lhs_hint = false} : vector<2080x64xf32>, vector<64x64xf32>, vector<2080x64xf32> -> vector<2080x64xf32>
    %add3A_33 = arith.addf %add3A_23, %dot_general3A_32 : vector<2080x64xf32>
    %slice3A_34 = vector.extract_strided_slice %reshape3A {offsets = [130, 0], sizes = [2080, 64], strides = [1, 1]} : vector<2470x64xf32> to vector<2080x64xf32>
    %get3A_35 = arith.constant 1 : index
    %get3A_36 = arith.constant 0 : index
    %get3A_37 = arith.constant 0 : index
    %get3A_38 = arith.constant 0 : index
    %get3A_39 = vector.load %arg3[%get3A_35, %get3A_36, %get3A_37, %get3A_38] : memref<3x3x64x64xf32, #tpu.memory_space<vmem>>, vector<1x1x64x64xf32>
    %get3A_40 = vector.shape_cast %get3A_39 : vector<1x1x64x64xf32> to vector<64x64xf32>
    %dot_general3A_41 = arith.constant dense<0.000000e+00> : vector<2080x64xf32>
    %dot_general3A_42 = tpu.matmul %slice3A_34, %get3A_40, %dot_general3A_41 {dimension_numbers = #tpu.dot_dimension_numbers<[1], [0], [0], [1], [0, 0, 1, 1], [], []>, transpose_lhs_hint = false} : vector<2080x64xf32>, vector<64x64xf32>, vector<2080x64xf32> -> vector<2080x64xf32>
    %add3A_43 = arith.addf %add3A_33, %dot_general3A_42 : vector<2080x64xf32>
    %slice3A_44 = vector.extract_strided_slice %reshape3A {offsets = [131, 0], sizes = [2080, 64], strides = [1, 1]} : vector<2470x64xf32> to vector<2080x64xf32>
    %get3A_45 = arith.constant 1 : index
    %get3A_46 = arith.constant 1 : index
    %get3A_47 = arith.constant 0 : index
    %get3A_48 = arith.constant 0 : index
    %get3A_49 = vector.load %arg3[%get3A_45, %get3A_46, %get3A_47, %get3A_48] : memref<3x3x64x64xf32, #tpu.memory_space<vmem>>, vector<1x1x64x64xf32>
    %get3A_50 = vector.shape_cast %get3A_49 : vector<1x1x64x64xf32> to vector<64x64xf32>
    %dot_general3A_51 = arith.constant dense<0.000000e+00> : vector<2080x64xf32>
    %dot_general3A_52 = tpu.matmul %slice3A_44, %get3A_50, %dot_general3A_51 {dimension_numbers = #tpu.dot_dimension_numbers<[1], [0], [0], [1], [0, 0, 1, 1], [], []>, transpose_lhs_hint = false} : vector<2080x64xf32>, vector<64x64xf32>, vector<2080x64xf32> -> vector<2080x64xf32>
    %add3A_53 = arith.addf %add3A_43, %dot_general3A_52 : vector<2080x64xf32>
    %slice3A_54 = vector.extract_strided_slice %reshape3A {offsets = [132, 0], sizes = [2080, 64], strides = [1, 1]} : vector<2470x64xf32> to vector<2080x64xf32>
    %get3A_55 = arith.constant 1 : index
    %get3A_56 = arith.constant 2 : index
    %get3A_57 = arith.constant 0 : index
    %get3A_58 = arith.constant 0 : index
    %get3A_59 = vector.load %arg3[%get3A_55, %get3A_56, %get3A_57, %get3A_58] : memref<3x3x64x64xf32, #tpu.memory_space<vmem>>, vector<1x1x64x64xf32>
    %get3A_60 = vector.shape_cast %get3A_59 : vector<1x1x64x64xf32> to vector<64x64xf32>
    %dot_general3A_61 = arith.constant dense<0.000000e+00> : vector<2080x64xf32>
    %dot_general3A_62 = tpu.matmul %slice3A_54, %get3A_60, %dot_general3A_61 {dimension_numbers = #tpu.dot_dimension_numbers<[1], [0], [0], [1], [0, 0, 1, 1], [], []>, transpose_lhs_hint = false} : vector<2080x64xf32>, vector<64x64xf32>, vector<2080x64xf32> -> vector<2080x64xf32>
    %add3A_63 = arith.addf %add3A_53, %dot_general3A_62 : vector<2080x64xf32>
    %slice3A_64 = vector.extract_strided_slice %reshape3A {offsets = [260, 0], sizes = [2080, 64], strides = [1, 1]} : vector<2470x64xf32> to vector<2080x64xf32>
    %get3A_65 = arith.constant 2 : index
    %get3A_66 = arith.constant 0 : index
    %get3A_67 = arith.constant 0 : index
    %get3A_68 = arith.constant 0 : index
    %get3A_69 = vector.load %arg3[%get3A_65, %get3A_66, %get3A_67, %get3A_68] : memref<3x3x64x64xf32, #tpu.memory_space<vmem>>, vector<1x1x64x64xf32>
    %get3A_70 = vector.shape_cast %get3A_69 : vector<1x1x64x64xf32> to vector<64x64xf32>
    %dot_general3A_71 = arith.constant dense<0.000000e+00> : vector<2080x64xf32>
    %dot_general3A_72 = tpu.matmul %slice3A_64, %get3A_70, %dot_general3A_71 {dimension_numbers = #tpu.dot_dimension_numbers<[1], [0], [0], [1], [0, 0, 1, 1], [], []>, transpose_lhs_hint = false} : vector<2080x64xf32>, vector<64x64xf32>, vector<2080x64xf32> -> vector<2080x64xf32>
    %add3A_73 = arith.addf %add3A_63, %dot_general3A_72 : vector<2080x64xf32>
    %slice3A_74 = vector.extract_strided_slice %reshape3A {offsets = [261, 0], sizes = [2080, 64], strides = [1, 1]} : vector<2470x64xf32> to vector<2080x64xf32>
    %get3A_75 = arith.constant 2 : index
    %get3A_76 = arith.constant 1 : index
    %get3A_77 = arith.constant 0 : index
    %get3A_78 = arith.constant 0 : index
    %get3A_79 = vector.load %arg3[%get3A_75, %get3A_76, %get3A_77, %get3A_78] : memref<3x3x64x64xf32, #tpu.memory_space<vmem>>, vector<1x1x64x64xf32>
    %get3A_80 = vector.shape_cast %get3A_79 : vector<1x1x64x64xf32> to vector<64x64xf32>
    %dot_general3A_81 = arith.constant dense<0.000000e+00> : vector<2080x64xf32>
    %dot_general3A_82 = tpu.matmul %slice3A_74, %get3A_80, %dot_general3A_81 {dimension_numbers = #tpu.dot_dimension_numbers<[1], [0], [0], [1], [0, 0, 1, 1], [], []>, transpose_lhs_hint = false} : vector<2080x64xf32>, vector<64x64xf32>, vector<2080x64xf32> -> vector<2080x64xf32>
    %add3A_83 = arith.addf %add3A_73, %dot_general3A_82 : vector<2080x64xf32>
    %slice3A_84 = vector.extract_strided_slice %reshape3A {offsets = [262, 0], sizes = [2080, 64], strides = [1, 1]} : vector<2470x64xf32> to vector<2080x64xf32>
    %get3A_85 = arith.constant 2 : index
    %get3A_86 = arith.constant 2 : index
    %get3A_87 = arith.constant 0 : index
    %get3A_88 = arith.constant 0 : index
    %get3A_89 = vector.load %arg3[%get3A_85, %get3A_86, %get3A_87, %get3A_88] : memref<3x3x64x64xf32, #tpu.memory_space<vmem>>, vector<1x1x64x64xf32>
    %get3A_90 = vector.shape_cast %get3A_89 : vector<1x1x64x64xf32> to vector<64x64xf32>
    %dot_general3A_91 = arith.constant dense<0.000000e+00> : vector<2080x64xf32>
    %dot_general3A_92 = tpu.matmul %slice3A_84, %get3A_90, %dot_general3A_91 {dimension_numbers = #tpu.dot_dimension_numbers<[1], [0], [0], [1], [0, 0, 1, 1], [], []>, transpose_lhs_hint = false} : vector<2080x64xf32>, vector<64x64xf32>, vector<2080x64xf32> -> vector<2080x64xf32>
    %add3A_93 = arith.addf %add3A_83, %dot_general3A_92 : vector<2080x64xf32>
    %get3A_94 = arith.constant 0 : index
    %get3A_95 = arith.constant 0 : index
    %get3A_96 = vector.load %arg4[%get3A_94, %get3A_95] : memref<1x64xf32, #tpu.memory_space<vmem>>, vector<1x64xf32>
    %add3A_97 = vector.broadcast %get3A_96 : vector<1x64xf32> to vector<2080x64xf32>
    %add3A_98 = arith.addf %add3A_93, %add3A_97 : vector<2080x64xf32>
    %max3A = arith.constant 0.000000e+00 : f32
    %max3A_99 = vector.broadcast %max3A : f32 to vector<2080x64xf32>
    %max3A_100 = arith.maximumf %add3A_98, %max3A_99 : vector<2080x64xf32>
    %reshape3A_101 = vector.shape_cast %max3A_100 : vector<2080x64xf32> to vector<16x130x64xf32>
    %slice3A_102 = vector.extract_strided_slice %reshape3A_101 {offsets = [0, 0, 0], sizes = [16, 128, 64], strides = [1, 1, 1]} : vector<16x130x64xf32> to vector<16x128x64xf32>
    %swap3A = arith.constant 0 : index
    %swap3A_103 = arith.constant 0 : index
    %swap3A_104 = arith.constant 0 : index
    %swap3A_105 = arith.constant 0 : index
    %swap3A_106 = vector.load %arg5[%swap3A, %swap3A_103, %swap3A_104, %swap3A_105] : memref<1x16x128x64xf32, #tpu.memory_space<vmem>>, vector<1x16x128x64xf32>
    %swap3A_107 = vector.shape_cast %swap3A_106 : vector<1x16x128x64xf32> to vector<16x128x64xf32>
    %swap3A_108 = vector.shape_cast %slice3A_102 : vector<16x128x64xf32> to vector<1x16x128x64xf32>
    tpu.vector_store %arg5[%swap3A, %swap3A_103, %swap3A_104, %swap3A_105], %swap3A_108 {strides = array<i32>} : memref<1x16x128x64xf32, #tpu.memory_space<vmem>>, vector<1x16x128x64xf32>,
    return
  }
  func.func @transform_0(%arg0: i32, %arg1: i32) -> (i32, i32, i32, i32) {
    %c0_i32 = arith.constant 0 : i32
    %c0_i32_0 = arith.constant 0 : i32
    %c0_i32_1 = arith.constant 0 : i32
    %c0_i32_2 = arith.constant 0 : i32
    return %arg0, %c0_i32, %c0_i32_0, %c0_i32_1 : i32, i32, i32, i32
  }
  func.func @transform_1(%arg0: i32, %arg1: i32) -> (i32, i32, i32, i32) {
    %c0_i32 = arith.constant 0 : i32
    %c0_i32_0 = arith.constant 0 : i32
    %c0_i32_1 = arith.constant 0 : i32
    %c0_i32_2 = arith.constant 0 : i32
    %c0_i32_3 = arith.constant 0 : i32
    return %c0_i32, %c0_i32_0, %c0_i32_1, %c0_i32_2 : i32, i32, i32, i32
  }
  func.func @transform_2(%arg0: i32, %arg1: i32) -> (i32, i32) {
    %c0_i32 = arith.constant 0 : i32
    %c0_i32_0 = arith.constant 0 : i32
    %c0_i32_1 = arith.constant 0 : i32
    return %c0_i32, %c0_i32_0 : i32, i32
  }
  func.func @transform_3(%arg0: i32, %arg1: i32) -> (i32, i32, i32, i32) {
    %c0_i32 = arith.constant 0 : i32
    %c0_i32_0 = arith.constant 0 : i32
    %c0_i32_1 = arith.constant 0 : i32
    return %arg0, %arg1, %c0_i32, %c0_i32_0 : i32, i32, i32, i32
  }
}

module attributes {stable_mosaic.version = 14 : i64} {
  func.func @body(%arg0: i32, %arg1: i32, %arg2: memref<1x132x130x64xf32, #tpu.memory_space<vmem>>, %arg3: memref<3x3x64x8xf32, #tpu.memory_space<vmem>>, %arg4: memref<1x8xf32, #tpu.memory_space<vmem>>, %arg5: memref<1x16x128x8xf32, #tpu.memory_space<vmem>>) attributes {dimension_semantics = [#tpu.dimension_semantics<arbitrary>, #tpu.dimension_semantics<arbitrary>], iteration_bounds = array<i64: 8, 8>, scalar_prefetch = 0 : i64, scratch_operands = 0 : i64, tpu.core_type = #tpu.core_type<tc>, window_params = [{transform_indices = @transform_0, window_bounds = array<i64: 1, 132, 130, 64>}, {pipeline_mode = #tpu.pipeline_mode<synchronous>, transform_indices = @transform_1, window_bounds = array<i64: 3, 3, 64, 8>}, {pipeline_mode = #tpu.pipeline_mode<synchronous>, transform_indices = @transform_2, window_bounds = array<i64: 1, 8>}, {transform_indices = @transform_3, window_bounds = array<i64: 1, 16, 128, 8>}]} {
    %mul3A = arith.constant 16 : i32
    %mul3A_0 = arith.muli %arg1, %mul3A : i32
    %get3A = arith.constant 0 : index
    %get3A_1 = arith.index_cast %mul3A_0 : i32 to index
    %get3A_2 = arith.constant 0 : index
    %get3A_3 = arith.constant 0 : index
    %get3A_4 = vector.load %arg2[%get3A, %get3A_1, %get3A_2, %get3A_3] : memref<1x132x130x64xf32, #tpu.memory_space<vmem>>, vector<1x19x130x64xf32>
    %get3A_5 = vector.shape_cast %get3A_4 : vector<1x19x130x64xf32> to vector<19x130x64xf32>
    %reshape3A = vector.shape_cast %get3A_5 : vector<19x130x64xf32> to vector<2470x64xf32>
    %broadcast_in_dim3A = arith.constant 0.000000e+00 : f32
    %broadcast_in_dim3A_6 = vector.broadcast %broadcast_in_dim3A : f32 to vector<2080x8xf32>
    %slice3A = vector.extract_strided_slice %reshape3A {offsets = [0, 0], sizes = [2080, 64], strides = [1, 1]} : vector<2470x64xf32> to vector<2080x64xf32>
    %get3A_7 = arith.constant 0 : index
    %get3A_8 = arith.constant 0 : index
    %get3A_9 = arith.constant 0 : index
    %get3A_10 = arith.constant 0 : index
    %get3A_11 = vector.load %arg3[%get3A_7, %get3A_8, %get3A_9, %get3A_10] : memref<3x3x64x8xf32, #tpu.memory_space<vmem>>, vector<1x1x64x8xf32>
    %get3A_12 = vector.shape_cast %get3A_11 : vector<1x1x64x8xf32> to vector<64x8xf32>
    %dot_general3A = arith.constant dense<0.000000e+00> : vector<2080x8xf32>
    %dot_general3A_13 = tpu.matmul %slice3A, %get3A_12, %dot_general3A {dimension_numbers = #tpu.dot_dimension_numbers<[1], [0], [0], [1], [0, 0, 1, 1], [], []>, transpose_lhs_hint = false} : vector<2080x64xf32>, vector<64x8xf32>, vector<2080x8xf32> -> vector<2080x8xf32>
    %add3A = arith.addf %broadcast_in_dim3A_6, %dot_general3A_13 : vector<2080x8xf32>
    %slice3A_14 = vector.extract_strided_slice %reshape3A {offsets = [1, 0], sizes = [2080, 64], strides = [1, 1]} : vector<2470x64xf32> to vector<2080x64xf32>
    %get3A_15 = arith.constant 0 : index
    %get3A_16 = arith.constant 1 : index
    %get3A_17 = arith.constant 0 : index
    %get3A_18 = arith.constant 0 : index
    %get3A_19 = vector.load %arg3[%get3A_15, %get3A_16, %get3A_17, %get3A_18] : memref<3x3x64x8xf32, #tpu.memory_space<vmem>>, vector<1x1x64x8xf32>
    %get3A_20 = vector.shape_cast %get3A_19 : vector<1x1x64x8xf32> to vector<64x8xf32>
    %dot_general3A_21 = arith.constant dense<0.000000e+00> : vector<2080x8xf32>
    %dot_general3A_22 = tpu.matmul %slice3A_14, %get3A_20, %dot_general3A_21 {dimension_numbers = #tpu.dot_dimension_numbers<[1], [0], [0], [1], [0, 0, 1, 1], [], []>, transpose_lhs_hint = false} : vector<2080x64xf32>, vector<64x8xf32>, vector<2080x8xf32> -> vector<2080x8xf32>
    %add3A_23 = arith.addf %add3A, %dot_general3A_22 : vector<2080x8xf32>
    %slice3A_24 = vector.extract_strided_slice %reshape3A {offsets = [2, 0], sizes = [2080, 64], strides = [1, 1]} : vector<2470x64xf32> to vector<2080x64xf32>
    %get3A_25 = arith.constant 0 : index
    %get3A_26 = arith.constant 2 : index
    %get3A_27 = arith.constant 0 : index
    %get3A_28 = arith.constant 0 : index
    %get3A_29 = vector.load %arg3[%get3A_25, %get3A_26, %get3A_27, %get3A_28] : memref<3x3x64x8xf32, #tpu.memory_space<vmem>>, vector<1x1x64x8xf32>
    %get3A_30 = vector.shape_cast %get3A_29 : vector<1x1x64x8xf32> to vector<64x8xf32>
    %dot_general3A_31 = arith.constant dense<0.000000e+00> : vector<2080x8xf32>
    %dot_general3A_32 = tpu.matmul %slice3A_24, %get3A_30, %dot_general3A_31 {dimension_numbers = #tpu.dot_dimension_numbers<[1], [0], [0], [1], [0, 0, 1, 1], [], []>, transpose_lhs_hint = false} : vector<2080x64xf32>, vector<64x8xf32>, vector<2080x8xf32> -> vector<2080x8xf32>
    %add3A_33 = arith.addf %add3A_23, %dot_general3A_32 : vector<2080x8xf32>
    %slice3A_34 = vector.extract_strided_slice %reshape3A {offsets = [130, 0], sizes = [2080, 64], strides = [1, 1]} : vector<2470x64xf32> to vector<2080x64xf32>
    %get3A_35 = arith.constant 1 : index
    %get3A_36 = arith.constant 0 : index
    %get3A_37 = arith.constant 0 : index
    %get3A_38 = arith.constant 0 : index
    %get3A_39 = vector.load %arg3[%get3A_35, %get3A_36, %get3A_37, %get3A_38] : memref<3x3x64x8xf32, #tpu.memory_space<vmem>>, vector<1x1x64x8xf32>
    %get3A_40 = vector.shape_cast %get3A_39 : vector<1x1x64x8xf32> to vector<64x8xf32>
    %dot_general3A_41 = arith.constant dense<0.000000e+00> : vector<2080x8xf32>
    %dot_general3A_42 = tpu.matmul %slice3A_34, %get3A_40, %dot_general3A_41 {dimension_numbers = #tpu.dot_dimension_numbers<[1], [0], [0], [1], [0, 0, 1, 1], [], []>, transpose_lhs_hint = false} : vector<2080x64xf32>, vector<64x8xf32>, vector<2080x8xf32> -> vector<2080x8xf32>
    %add3A_43 = arith.addf %add3A_33, %dot_general3A_42 : vector<2080x8xf32>
    %slice3A_44 = vector.extract_strided_slice %reshape3A {offsets = [131, 0], sizes = [2080, 64], strides = [1, 1]} : vector<2470x64xf32> to vector<2080x64xf32>
    %get3A_45 = arith.constant 1 : index
    %get3A_46 = arith.constant 1 : index
    %get3A_47 = arith.constant 0 : index
    %get3A_48 = arith.constant 0 : index
    %get3A_49 = vector.load %arg3[%get3A_45, %get3A_46, %get3A_47, %get3A_48] : memref<3x3x64x8xf32, #tpu.memory_space<vmem>>, vector<1x1x64x8xf32>
    %get3A_50 = vector.shape_cast %get3A_49 : vector<1x1x64x8xf32> to vector<64x8xf32>
    %dot_general3A_51 = arith.constant dense<0.000000e+00> : vector<2080x8xf32>
    %dot_general3A_52 = tpu.matmul %slice3A_44, %get3A_50, %dot_general3A_51 {dimension_numbers = #tpu.dot_dimension_numbers<[1], [0], [0], [1], [0, 0, 1, 1], [], []>, transpose_lhs_hint = false} : vector<2080x64xf32>, vector<64x8xf32>, vector<2080x8xf32> -> vector<2080x8xf32>
    %add3A_53 = arith.addf %add3A_43, %dot_general3A_52 : vector<2080x8xf32>
    %slice3A_54 = vector.extract_strided_slice %reshape3A {offsets = [132, 0], sizes = [2080, 64], strides = [1, 1]} : vector<2470x64xf32> to vector<2080x64xf32>
    %get3A_55 = arith.constant 1 : index
    %get3A_56 = arith.constant 2 : index
    %get3A_57 = arith.constant 0 : index
    %get3A_58 = arith.constant 0 : index
    %get3A_59 = vector.load %arg3[%get3A_55, %get3A_56, %get3A_57, %get3A_58] : memref<3x3x64x8xf32, #tpu.memory_space<vmem>>, vector<1x1x64x8xf32>
    %get3A_60 = vector.shape_cast %get3A_59 : vector<1x1x64x8xf32> to vector<64x8xf32>
    %dot_general3A_61 = arith.constant dense<0.000000e+00> : vector<2080x8xf32>
    %dot_general3A_62 = tpu.matmul %slice3A_54, %get3A_60, %dot_general3A_61 {dimension_numbers = #tpu.dot_dimension_numbers<[1], [0], [0], [1], [0, 0, 1, 1], [], []>, transpose_lhs_hint = false} : vector<2080x64xf32>, vector<64x8xf32>, vector<2080x8xf32> -> vector<2080x8xf32>
    %add3A_63 = arith.addf %add3A_53, %dot_general3A_62 : vector<2080x8xf32>
    %slice3A_64 = vector.extract_strided_slice %reshape3A {offsets = [260, 0], sizes = [2080, 64], strides = [1, 1]} : vector<2470x64xf32> to vector<2080x64xf32>
    %get3A_65 = arith.constant 2 : index
    %get3A_66 = arith.constant 0 : index
    %get3A_67 = arith.constant 0 : index
    %get3A_68 = arith.constant 0 : index
    %get3A_69 = vector.load %arg3[%get3A_65, %get3A_66, %get3A_67, %get3A_68] : memref<3x3x64x8xf32, #tpu.memory_space<vmem>>, vector<1x1x64x8xf32>
    %get3A_70 = vector.shape_cast %get3A_69 : vector<1x1x64x8xf32> to vector<64x8xf32>
    %dot_general3A_71 = arith.constant dense<0.000000e+00> : vector<2080x8xf32>
    %dot_general3A_72 = tpu.matmul %slice3A_64, %get3A_70, %dot_general3A_71 {dimension_numbers = #tpu.dot_dimension_numbers<[1], [0], [0], [1], [0, 0, 1, 1], [], []>, transpose_lhs_hint = false} : vector<2080x64xf32>, vector<64x8xf32>, vector<2080x8xf32> -> vector<2080x8xf32>
    %add3A_73 = arith.addf %add3A_63, %dot_general3A_72 : vector<2080x8xf32>
    %slice3A_74 = vector.extract_strided_slice %reshape3A {offsets = [261, 0], sizes = [2080, 64], strides = [1, 1]} : vector<2470x64xf32> to vector<2080x64xf32>
    %get3A_75 = arith.constant 2 : index
    %get3A_76 = arith.constant 1 : index
    %get3A_77 = arith.constant 0 : index
    %get3A_78 = arith.constant 0 : index
    %get3A_79 = vector.load %arg3[%get3A_75, %get3A_76, %get3A_77, %get3A_78] : memref<3x3x64x8xf32, #tpu.memory_space<vmem>>, vector<1x1x64x8xf32>
    %get3A_80 = vector.shape_cast %get3A_79 : vector<1x1x64x8xf32> to vector<64x8xf32>
    %dot_general3A_81 = arith.constant dense<0.000000e+00> : vector<2080x8xf32>
    %dot_general3A_82 = tpu.matmul %slice3A_74, %get3A_80, %dot_general3A_81 {dimension_numbers = #tpu.dot_dimension_numbers<[1], [0], [0], [1], [0, 0, 1, 1], [], []>, transpose_lhs_hint = false} : vector<2080x64xf32>, vector<64x8xf32>, vector<2080x8xf32> -> vector<2080x8xf32>
    %add3A_83 = arith.addf %add3A_73, %dot_general3A_82 : vector<2080x8xf32>
    %slice3A_84 = vector.extract_strided_slice %reshape3A {offsets = [262, 0], sizes = [2080, 64], strides = [1, 1]} : vector<2470x64xf32> to vector<2080x64xf32>
    %get3A_85 = arith.constant 2 : index
    %get3A_86 = arith.constant 2 : index
    %get3A_87 = arith.constant 0 : index
    %get3A_88 = arith.constant 0 : index
    %get3A_89 = vector.load %arg3[%get3A_85, %get3A_86, %get3A_87, %get3A_88] : memref<3x3x64x8xf32, #tpu.memory_space<vmem>>, vector<1x1x64x8xf32>
    %get3A_90 = vector.shape_cast %get3A_89 : vector<1x1x64x8xf32> to vector<64x8xf32>
    %dot_general3A_91 = arith.constant dense<0.000000e+00> : vector<2080x8xf32>
    %dot_general3A_92 = tpu.matmul %slice3A_84, %get3A_90, %dot_general3A_91 {dimension_numbers = #tpu.dot_dimension_numbers<[1], [0], [0], [1], [0, 0, 1, 1], [], []>, transpose_lhs_hint = false} : vector<2080x64xf32>, vector<64x8xf32>, vector<2080x8xf32> -> vector<2080x8xf32>
    %add3A_93 = arith.addf %add3A_83, %dot_general3A_92 : vector<2080x8xf32>
    %get3A_94 = arith.constant 0 : index
    %get3A_95 = arith.constant 0 : index
    %get3A_96 = vector.load %arg4[%get3A_94, %get3A_95] : memref<1x8xf32, #tpu.memory_space<vmem>>, vector<1x8xf32>
    %add3A_97 = vector.broadcast %get3A_96 : vector<1x8xf32> to vector<2080x8xf32>
    %add3A_98 = arith.addf %add3A_93, %add3A_97 : vector<2080x8xf32>
    %reshape3A_99 = vector.shape_cast %add3A_98 : vector<2080x8xf32> to vector<16x130x8xf32>
    %slice3A_100 = vector.extract_strided_slice %reshape3A_99 {offsets = [0, 0, 0], sizes = [16, 128, 8], strides = [1, 1, 1]} : vector<16x130x8xf32> to vector<16x128x8xf32>
    %swap3A = arith.constant 0 : index
    %swap3A_101 = arith.constant 0 : index
    %swap3A_102 = arith.constant 0 : index
    %swap3A_103 = arith.constant 0 : index
    %swap3A_104 = vector.load %arg5[%swap3A, %swap3A_101, %swap3A_102, %swap3A_103] : memref<1x16x128x8xf32, #tpu.memory_space<vmem>>, vector<1x16x128x8xf32>
    %swap3A_105 = vector.shape_cast %swap3A_104 : vector<1x16x128x8xf32> to vector<16x128x8xf32>
    %swap3A_106 = vector.shape_cast %slice3A_100 : vector<16x128x8xf32> to vector<1x16x128x8xf32>
    tpu.vector_store %arg5[%swap3A, %swap3A_101, %swap3A_102, %swap3A_103], %swap3A_106 {strides = array<i32>} : memref<1x16x128x8xf32, #tpu.memory_space<vmem>>, vector<1x16x128x8xf32>,
    return
  }
  func.func @transform_0(%arg0: i32, %arg1: i32) -> (i32, i32, i32, i32) {
    %c0_i32 = arith.constant 0 : i32
    %c0_i32_0 = arith.constant 0 : i32
    %c0_i32_1 = arith.constant 0 : i32
    %c0_i32_2 = arith.constant 0 : i32
    return %arg0, %c0_i32, %c0_i32_0, %c0_i32_1 : i32, i32, i32, i32
  }
  func.func @transform_1(%arg0: i32, %arg1: i32) -> (i32, i32, i32, i32) {
    %c0_i32 = arith.constant 0 : i32
    %c0_i32_0 = arith.constant 0 : i32
    %c0_i32_1 = arith.constant 0 : i32
    %c0_i32_2 = arith.constant 0 : i32
    %c0_i32_3 = arith.constant 0 : i32
    return %c0_i32, %c0_i32_0, %c0_i32_1, %c0_i32_2 : i32, i32, i32, i32
  }
  func.func @transform_2(%arg0: i32, %arg1: i32) -> (i32, i32) {
    %c0_i32 = arith.constant 0 : i32
    %c0_i32_0 = arith.constant 0 : i32
    %c0_i32_1 = arith.constant 0 : i32
    return %c0_i32, %c0_i32_0 : i32, i32
  }
  func.func @transform_3(%arg0: i32, %arg1: i32) -> (i32, i32, i32, i32) {
    %c0_i32 = arith.constant 0 : i32
    %c0_i32_0 = arith.constant 0 : i32
    %c0_i32_1 = arith.constant 0 : i32
    return %arg0, %arg1, %c0_i32, %c0_i32_0 : i32, i32, i32, i32
  }
}

</mosaic_0001>

<sc_bundles>
// kernel: kernel.7.cloned.1.call-start
scs
__scs_entry_jumppad:
0x0: {  	(pc) =	sbr.rel $0x88, $3  }
0x1: {  	(tag) =	ssettag $0x0;
	lr =	simm.s32 $0x1  }
0x2: {  	[smem:$0x3F95] =	sst lr;
	_ =	strace $0xD0000000  }
0x3: {  	_ = 	snop  }
0x4: {  	_ = 	snop  }
0x5: {  	_ = 	snop  }
0x6: {  	_ = 	snop  }
0x7: {  	_ = 	snop  }
__scs_overlays_trampoline_lowered:
0x8: {  	[smem:$0x3FA4] =	sst s0  }
0x9: {  	[smem:$0x3FA5] =	sst s1  }
0xa: {  	[smem:$0x3FA6] =	sst s2  }
0xb: {  	[smem:$0x3FA7] =	sst s3  }
0xc: {  	[smem:$0x3FA8] =	sst s4  }
0xd: {  	[smem:$0x3FA9] =	sst s5  }
0xe: {  	[smem:$0x3FAA] =	sst s6  }
0xf: {  	[smem:$0x3FAB] =	sst s7  }
0x10: {  	[smem:$0x3FAC] =	sst s8  }
0x11: {  	[smem:$0x3FAD] =	sst s9;
	s0 =	simm.s32 @!p0 $0x0  }
0x12: {  	s1 =	sld [smem:$0x3F93];
	s0 =	simm.s32 @p0 $0x1  }
0x13: {  	[smem:$0x3FAE] =	sst s0;
	s0 =	simm.s32 @!p1 $0x0  }
0x14: {  	s2 =	sld [smem:$0x3F92];
	s0 =	simm.s32 @p1 $0x1  }
0x15: {  	[smem:$0x3FAF] =	sst s0;
	s0 =	simm.s32 @!p2 $0x0  }
0x16: {  	s3 =	sld [smem:$0x3FDB];
	s0 =	simm.s32 @p2 $0x1  }
0x17: {  	s4 =	simm.s32 $0x1BF5;
	[smem:$0x3FB1] =	sst s0  }
0x18: {  	s0 =	sld [smem:$0x3F94];
	_ =	swait.ge [sflag:s4], $0x0  }
0x19: {  	s7 =	sld [smem:$0x3F95]  }
0x1a: {  	s8 =	sadd.s32 $0xFFFFE003, lr  }
0x1b: {  	s9 =	sadd.s32 $0xFFFFFEF7, lr;
	s5 =	simm.s32 $0xFFFFFFFF;
	p2 =	slt.u32 s8, $0xFFFFF086  }
0x1c: {  	p1 =	slt.u32 s9, $0xF7A;
	s5 =	simm.s32 @!p2 $0x0  }
0x1d: {  	s5 =	simm.s32 @p1 $0x1;
	p0 =	seq.s32 s7, s2  }
0x1e: {  	s7 =	smul.u32 @!p0 $0xF7A, s2;
	p2 =	seq.s32 @!p0 s5, $0x0  }
0x1f: {  	s9 =	smul.u32 $0xF7A, s1;
	s8 =	simm.s32 @!p0 $0x1BF5;
	p2 =	por !p2, p0  }
0x20: {  	[sflag:s8] =	ssyncset.s32 @!p0 $0xFFFFF086;
	s6 =	sadd.s32 @!p0 s3, s7;
	s7 =	simm.s32 @!p0 $0x108  }
0x21: {  	s3 =	sadd.s32 s3, s9;
	s6 =	sadd.s32 @!p0 $0x88, s6;
	s7 =	simm.s32 @p2 $0x1082  }
0x22: {  	[simem:s7], [sflag:s8] =	dma.local @!p0 [hbm:s6], $0xF7A  }
0x23: {  	s9 =	sor.u32 $0xD0000000, s2;
	s6 =	simm.s32 $0x108;
	_ =	swait.ge @!p0 [sflag:s8], $0x0  }
0x24: {  	s3 =	sadd.s32 $0x88, s3;
	s6 =	simm.s32 @!p1 $0x1082;
	[sflag:s4] =	ssyncset.s32 $0xFFFFF086  }
0x25: {  	[simem:s6], [sflag:s4] =	dma.local [hbm:s3], $0xF7A  }
0x26: {  	[smem:$0x3F95] =	sst s1;
	(tag) =	ssettag s2;
	_ =	strace s9  }
0x27: {  	s1 =	sld [smem:$0x3FA5]  }
0x28: {  	s2 =	sld [smem:$0x3FA6]  }
0x29: {  	s4 =	sld [smem:$0x3FA8]  }
0x2a: {  	p0 =	seq.s32 s5, $0x0;
	s5 =	sld [smem:$0x3FA9]  }
0x2b: {  	s6 =	sld [smem:$0x3FAA]  }
0x2c: {  	s7 =	sld [smem:$0x3FAB]  }
0x2d: {  	s3 =	simm.s32 $0x108;
	s8 =	sld [smem:$0x3FAC]  }
0x2e: {  	s3 =	simm.s32 @!p0 $0x1082;
	s9 =	sld [smem:$0x3FAD]  }
0x2f: {  	lr =	sadd.s32 s0, s3;
	s0 =	sld [smem:$0x3FA4]  }
0x30: {  	s3 =	sld [smem:$0x3FA7]  }
0x31: {  	[smem:$0x3FB0] =	sst s10  }
0x32: {  	s10 =	sld [smem:$0x3FAE];
	_ =	sdelay $0x3  }
0x33: {  	p0 =	seq.s32 s10, $0x1;
	s10 =	sld [smem:$0x3FB0];
	_ =	sdelay $0x3  }
0x34: {  	[smem:$0x3FB0] =	sst s10  }
0x35: {  	s10 =	sld [smem:$0x3FAF];
	_ =	sdelay $0x3  }
0x36: {  	p1 =	seq.s32 s10, $0x1;
	s10 =	sld [smem:$0x3FB0];
	_ =	sdelay $0x3  }
0x37: {  	[smem:$0x3FB0] =	sst s10  }
0x38: {  	s10 =	sld [smem:$0x3FB1]  }
0x39: {  	_ = 	snop;
	(pc) =	sbr.ind lr, $3  }
0x3a: {  	_ = 	snop  }
0x3b: {  	_ = 	snop  }
0x3c: {  	p2 =	seq.s32 s10, $0x1;
	s10 =	sld [smem:$0x3FB0]  }
0x3d: {  	_ =	shalt  }
0x3e: {  	_ =	shalt  }
0x3f: {  	_ =	shalt  }
0x40: {  	_ =	shalt  }
0x41: {  	_ =	shalt  }
0x42: {  	_ =	shalt  }
0x43: {  	_ =	shalt  }
0x44: {  	_ =	shalt  }
0x45: {  	_ =	shalt  }
0x46: {  	_ =	shalt  }
0x47: {  	_ =	shalt  }
0x48: {  	_ =	shalt  }
0x49: {  	_ =	shalt  }
0x4a: {  	_ =	shalt  }
0x4b: {  	_ =	shalt  }
0x4c: {  	_ =	shalt  }
0x4d: {  	_ =	shalt  }
0x4e: {  	_ =	shalt  }
0x4f: {  	_ =	shalt  }
0x50: {  	_ =	shalt  }
0x51: {  	_ =	shalt  }
0x52: {  	_ =	shalt  }
0x53: {  	_ =	shalt  }
0x54: {  	_ =	shalt  }
0x55: {  	_ =	shalt  }
0x56: {  	_ =	shalt  }
0x57: {  	_ =	shalt  }
0x58: {  	_ =	shalt  }
0x59: {  	_ =	shalt  }
0x5a: {  	_ =	shalt  }
0x5b: {  	_ =	shalt  }
0x5c: {  	_ =	shalt  }
0x5d: {  	_ =	shalt  }
0x5e: {  	_ =	shalt  }
0x5f: {  	_ =	shalt  }
0x60: {  	_ =	shalt  }
0x61: {  	_ =	shalt  }
0x62: {  	_ =	shalt  }
0x63: {  	_ =	shalt  }
0x64: {  	_ =	shalt  }
0x65: {  	_ =	shalt  }
0x66: {  	_ =	shalt  }
0x67: {  	_ =	shalt  }
0x68: {  	_ =	shalt  }
0x69: {  	_ =	shalt  }
0x6a: {  	_ =	shalt  }
0x6b: {  	_ =	shalt  }
0x6c: {  	_ =	shalt  }
0x6d: {  	_ =	shalt  }
0x6e: {  	_ =	shalt  }
0x6f: {  	_ =	shalt  }
0x70: {  	_ =	shalt  }
0x71: {  	_ =	shalt  }
0x72: {  	_ =	shalt  }
0x73: {  	_ =	shalt  }
0x74: {  	_ =	shalt  }
0x75: {  	_ =	shalt  }
0x76: {  	_ =	shalt  }
0x77: {  	_ =	shalt  }
0x78: {  	_ =	shalt  }
0x79: {  	_ =	shalt  }
0x7a: {  	_ =	shalt  }
0x7b: {  	_ =	shalt  }
0x7c: {  	_ =	shalt  }
0x7d: {  	_ =	shalt  }
0x7e: {  	_ =	shalt  }
0x7f: {  	_ =	shalt  }
0x80: {  	_ =	shalt  }
0x81: {  	_ =	shalt  }
0x82: {  	_ =	shalt  }
0x83: {  	_ =	shalt  }
0x84: {  	_ =	shalt  }
0x85: {  	_ =	shalt  }
0x86: {  	_ =	shalt  }
0x87: {  	_ =	shalt  }
.Lfunc_end0:
.L_simem_size_0:
called_computation_lowered:
.L_overlay_start_0:
0x88: {  	s2 =	sld [smem:$0x3FD9]  }
0x89: {  	s3 =	sld [smem:$0x3FFE];
	_ =	sdelay $0x1  }
0x8a: {  	s1 =	srdreg.scid  }
0x8b: {  	s0 =	sand.u32 $0x1, s1  }
0x8c: {  	s16 =	sshll.u32 s0, $0xA;
	s2 =	sadd.s32 s3, s2  }
0x8d: {  	s2 =	sadd.s32 s2, s16  }
0x8e: {  	[smem:$0x3FBC] =	sst s2  }
0x8f: {  	_ = 	snop  }
0x90: {  	(tm) =	ssettm $0x1  }
0x91: {  	s17 =	sld [smem:$0x3FFB];
	_ =	sdelay $0x3  }
0x92: {  	_ =	strace s17  }
0x93: {  	s2 =	sld [smem:$0x3FFC];
	_ =	sdelay $0x3  }
0x94: {  	_ =	strace s2  }
0x95: {  	s2 =	sld [smem:$0x3FFD];
	_ =	sdelay $0x3  }
0x96: {  	_ =	strace s2  }
0x97: {  	_ =	strace $0x8FFFFFFF  }
0x98: {  	s18 =	sld [smem:$0x3FDB];
	_ =	sdelay $0x1  }
0x99: {  	s19 =	simm.s32 $_scs_section_size  }
0x9a: {  	s4 =	simm.s32 $_size__tile_overlayer_lowered;
	s5 =	simm.s32 $_tile_overlayer_lowered  }
0x9b: {  	s22 =	simm.s32 $0x1BFF;
	s21 =	sshll.u32 s5, $0x1;
	s2 =	sadd.s32 s19, s18  }
0x9c: {  	s6 =	simm.s32 $0x0;
	s20 =	sshll.u32 s4, $0x1;
	s4 =	sadd.s32 s21, s2  }
0x9d: {  	[timem:s6], [sflag:s22] =	dma.local [hbm:s4], s20  }
0x9e: {  	_ =	swait.ge [sflag:s22], s20  }
0x9f: {  	s3 =	ssub.s32 $0x0, s20;
	[sflag:s22] =	ssyncset.done $0x0  }
0xa0: {  	[sflag:s22] =	ssyncadd.s32 s3;
	_ =	sdelay $0x1  }
0xa1: {  	s23 =	simm.s32 $0x1B8B  }
0xa2: {  	_ =	swait.ge [sflag:s23], $0x1  }
0xa3: {  	[sflag:s23] =	ssyncset.done $0x0  }
0xa4: {  	s25 =	simm.s32 $0x1B8E;
	s24 =	sld [smem:$0x3FFE];
	[sflag:s23] =	ssyncadd.s32 $0xFFFFFFFF  }
0xa5: {  	s26 =	simm.s32 $execute0_lowered;
	[smem:$0x3FD2] =	sst s25  }
0xa6: {  	s4 =	sshll.u32 s26, $0x1;
	_ =	strace $0x80000046;
	[dreg:$0x1] =	wrdreg $0xFFFFFFFF  }
0xa7: {  	s28 =	simm.s32 $_size_execute0_lowered;
	s2 =	sadd.s32 s2, s4;
	[dreg:$0x0] =	wrdreg $0x0  }
0xa8: {  	s4 =	sshll.u32 s28, $0x1;
	[dreg:$0x2] =	wrdreg s2  }
0xa9: {  	[dreg:$0x3] =	wrdreg s4  }
0xaa: {  	[dreg:$0x4] =	wrdreg $0xC0  }
0xab: {  	_ =	task [dreg:s6], $0x5FFFF  }
0xac: {  	[dreg:$0x1] =	wrdreg $0xFFFFFFFF  }
0xad: {  	[dreg:$0x0] =	wrdreg $0x60  }
0xae: {  	[dreg:$0x2] =	wrdreg s24  }
0xaf: {  	[dreg:$0x3] =	wrdreg $0x9  }
0xb0: {  	_ =	task.clear_ibuf [dreg:s6], $0x4FFFF;
	_ =	strace $0x90000046  }
0xb1: {  	s29 =	simm.s32 $0x9;
	_ =	strace $0x80000048  }
0xb2: {  	_ =	swait.ge [sflag:s29], $0x1  }
0xb3: {  	[sflag:s29] =	ssyncadd.s32 $0xFFFFFFFF  }
0xb4: {  	_ =	strace $0x90000048  }
0xb5: {  	_ =	sfence  }
0xb6: {  	s30 =	sld [smem:$0x0];
	_ =	sdelay $0x2  }
0xb7: {  	s31 =	sshll.u32 s1, $0xD;
	s1 =	sshrl.u32 s1, $0x2  }
0xb8: {  	s3 =	sand.u32 $0x4000, s31;
	s1 =	sadd.s32 s1, s30  }
0xb9: {  	s0 =	sor.u32 s3, s0;
	s1 =	sshll.u32 s1, $0x11  }
0xba: {  	s0 =	sor.u32 s1, s0  }
0xbb: {  	s0 =	sadd.s32 $0x8F2B, s0  }
0xbc: {  	[sflag:s0] =	ssyncadd.remote.s32 $0x1  }
0xbd: {  	_ =	sfence.sel $0xFFFF  }
0xbe: {  	[dreg:$0x0] =	wrdreg $0xFFFFFFFF;
	(pc) =	sbr.abs _section_cstart, $3  }
0xbf: {  	[dreg:$0x1] =	wrdreg $0xFFFFFFFF  }
0xc0: {  	_ =	task.clear_ibuf [dreg:s6], $0x2FFFF;
	_ =	strace $0x9FFFFFFF  }
0xc1: {  	(tm) =	ssettm $0x7FFFFFFF  }
tec
execute0_lowered:
.L_overlay_start_1:
0x0: {  	(tag) =	ssettag $0x1  }
0x1: {  	s1 =	srdreg.scid  }
0x2: {  	s0 =	stileid.u32;
	s6 =	sand.u32 $0x1, s1  }
0x3: {  	s8 =	rddreg [dreg:$0x0];
	s30 =	sshll.u32 s0, $0x9;
	s2 =	sshll.u32 s6, $0x8  }
0x4: {  	s7 =	simm.s32 $0x1;
	s1 =	rddreg [dreg:$0x1];
	s9 =	sor.u32 s2, s30  }
0x5: {  	s5 =	sadd.s32 $0x200, s8;
	s2 =	simm.s32 $0x0;
	s3 =	sshrl.u32 s9, $0x3  }
0x6: {  	s10 =	ssub.s32 $0x2, s6;
	[smem:$0x7FF] =	sst s2;
	s3 =	sadd.s32 s3, s8  }
0x7: {  	_ =	strace $0x80000047;
	s4 =	sadd.s32 $0x20200, s3;
	s3 =	simm.s32 $0x2  }
0x8: {  	[tilespmem:s2], [sflag:$0x2] =	stream.linear.gather [hbm4b:s4+s2], $0x100, $0x38;
	[tilespmem:$0x8100] =	vst v63  }
0x9: {  	s6 =	simm.s32 $0x100;
	s11 =	sshrl.u32 s10, $0x1;
	_ =	swait.ge [sflag:s3], $0x100  }
0xa: {  	s9 =	sshll.u32 s9, $0x4;
	s31 =	ssub.s32 s10, s11;
	[sflag:s3] =	ssyncset.done $0x0  }
0xb: {  	s8 =	sadd.s32 s9, s8;
	s9 =	smax.u32 s31, $0x1;
	[sflag:s3] =	ssyncadd.s32 $0xFFFFFF00  }
0xc: {  	[tilespmem:s6], [sflag:$0x1] =	stream.indirect.gather [hbm4b:s5+s6], $0x80, s2, s6, $0xb8;
	[tilespmem:$0x8100] =	vst v63  }
0xd: {  	p0 =	sne.s32 s9, $0x1;
	_ =	swait.ge [sflag:s7], $0x8000  }
.Ltmp0:
0xe: {  	[sflag:s7] =	ssyncset.done $0x0;
	(pc) =	sbr.rel @!p0 .LBB2_2-.Ltmp0, $4  }
0xf: {  	s8 =	sadd.s32 $0x20600, s8;
	[sflag:s7] =	ssyncadd.s32 $0xFFFF8000  }
0x10: {  	[hbm4b:s8+s2] =	stream.linear.scatter [tilespmem:s6], [sflag:$0x2], $0x8000, $0x38;
	[tilespmem:$0x8100] =	vst v63  }
0x11: {  	_ =	swait.ge [sflag:s3], $0x8000  }
0x12: {  	s9 =	sadd.s32 $0xFFFFFFFF, s9;
	[sflag:s3] =	ssyncset.done $0x0  }
.LBB2_1:
0x13: {  	p0 =	sne.s32 s9, $0x1;
	s9 =	sadd.s32 $0xFFFFFFFF, s9;
	[sflag:s3] =	ssyncadd.s32 $0xFFFF8000  }
0x14: {  	[tilespmem:s2], [sflag:$0x2] =	stream.linear.gather [hbm4b:s4+s2], $0x100, $0x38;
	[tilespmem:$0x8100] =	vst v63  }
0x15: {  	_ =	swait.ge [sflag:s3], $0x100  }
0x16: {  	[sflag:s3] =	ssyncset.done $0x0  }
0x17: {  	[sflag:s3] =	ssyncadd.s32 $0xFFFFFF00  }
0x18: {  	[tilespmem:s6], [sflag:$0x1] =	stream.indirect.gather [hbm4b:s5+s6], $0x80, s2, s6, $0xb8;
	[tilespmem:$0x8100] =	vst v63  }
0x19: {  	_ =	swait.ge [sflag:s7], $0x8000  }
.Ltmp1:
0x1a: {  	[sflag:s7] =	ssyncset.done $0x0;
	(pc) =	sbr.rel @p0 .LBB2_1-.Ltmp1, $4  }
0x1b: {  	[sflag:s7] =	ssyncadd.s32 $0xFFFF8000  }
0x1c: {  	[hbm4b:s8+s2] =	stream.linear.scatter [tilespmem:s6], [sflag:$0x2], $0x8000, $0x38;
	[tilespmem:$0x8100] =	vst v63  }
0x1d: {  	_ =	swait.ge [sflag:s3], $0x8000  }
0x1e: {  	[sflag:s3] =	ssyncset.done $0x0  }
.LBB2_2:
0x1f: {  	[sflag:s3] =	ssyncadd.s32 $0xFFFF8000  }
0x20: {  	_ =	sfence.sel $0x180000  }
0x21: {  	[bflag:$0x0] =	sbarrier.arrive $0xFFFF  }
0x22: {  	p0 =	sne.s32 s0, $0x0;
	_ =	strace $0x90000047  }
0x23: {  	s0 =	sadd.s32 @!p0 $0x100000, s1;
	[bflag:$0x2] =	sbarrier.arrive $0xFFFF  }
0x24: {  	[sflag:s0] =	ssyncadd.tile.s32 @!p0 $0x1;
	_ =	shalt  }
.Lfunc_end2:
_tile_overlayer_lowered:
.L_overlay_start_2:
0x25: {  	(tag) =	ssettag $0x2  }
0x26: {  	s0 =	rddreg [dreg:$0x0];
	s2 =	stileid.u32  }
0x27: {  	s1 =	rddreg [dreg:$0x1];
	p0 =	sne.s32 s2, $0x0  }
0x28: {  	s3 =	rddreg [dreg:$0x2];
	[bflag:$0x3] =	sbarrier.arrive $0xFFFF;
	s2 =	simm.s32 @!p0 $0x1C02  }
0x29: {  	[timem:s3], [sflag:s2] =	dma.local @!p0 [hbm:s0], s1  }
0x2a: {  	s0 =	simm.s32 @!p0 $0x2  }
0x2b: {  	_ =	swait.ge @!p0 [sflag:s0], s1  }
0x2c: {  	s1 =	ssub.s32 @!p0 $0x0, s1;
	[sflag:s0] =	ssyncset.done @!p0 $0x0  }
0x2d: {  	[sflag:s0] =	ssyncadd.s32 @!p0 s1  }
0x2e: {  	[bflag:$0x3] =	sbarrier.arrive $0xFFFF  }
0x2f: {  	_ =	shalt  }

</sc_bundles>
